<compile_context>
chip_gen: v7x
topology: tpu7x:2x2x1
jax: 0.10.2.dev20260603
libtpu: 0.0.44.dev20260713+nightly
codegen_flags: <defaults>
</compile_context>

<pallas_src>
import functools

import jax
import jax.numpy as jnp
from jax import lax
from jax.experimental import pallas as pl
from jax.experimental.pallas import tpu as pltpu
from jax.experimental.pallas import tpu_sc as plsc

BATCH = 16384
DIM = 64

_info = plsc.get_sparse_core_info()
NC, NS, L = _info.num_cores, _info.num_subcores, _info.num_lanes
NW = NC * NS
BPW = BATCH // NW

BN = 49152


def _matvec_body(w_ref, x_ref, o_ref):
    x = x_ref[...]
    wt = w_ref[...].T
    res = jax.lax.dot_general(wt, x, (((1,), (0,)), ((), ())),
                              preferred_element_type=jnp.float32)
    o_ref[...] = res[0]


def _scores(tabT, w_col):
    n = tabT.shape[1]
    grid = (n + BN - 1) // BN
    return pl.pallas_call(
        _matvec_body,
        grid=(grid,),
        in_specs=[
            pl.BlockSpec((DIM, 1), lambda i: (0, 0)),
            pl.BlockSpec((DIM, BN), lambda i: (0, i)),
        ],
        out_specs=pl.BlockSpec((BN,), lambda i: (i,)),
        out_shape=jax.ShapeDtypeStruct((n,), jnp.float32),
    )(w_col, tabT)


def _sc_body(pid_hbm, sid_hbm, sp_hbm, ss_hbm, b_hbm, out_hbm,
             idp_v, ids_v, gp_v, gs_v, b_v, out_v, sem_p, sem_s):
    wid = lax.axis_index("s") * NC + lax.axis_index("c")
    base = wid * BPW

    pltpu.sync_copy(pid_hbm.at[pl.ds(base, BPW)], idp_v)
    pltpu.sync_copy(sid_hbm.at[pl.ds(base, BPW)], ids_v)
    pltpu.sync_copy(b_hbm, b_v)
    cp = pltpu.async_copy(sp_hbm.at[idp_v], gp_v, sem_p)
    cs = pltpu.async_copy(ss_hbm.at[ids_v], gs_v, sem_s)
    cp.wait()
    cs.wait()

    bias = b_v[...]

    def group(g, carry):
        s0 = g * L
        logits = gp_v[pl.ds(s0, L)] + gs_v[pl.ds(s0, L)] + bias
        out_v[pl.ds(s0, L)] = 1.0 / (1.0 + jnp.exp(-logits))
        return carry

    lax.fori_loop(0, BPW // L, group, 0)
    pltpu.sync_copy(out_v, out_hbm.at[pl.ds(base, BPW)])


def _gather_sigmoid(playlist_ids, song_ids, scores_p, scores_s, b_vec):
    mesh = plsc.VectorSubcoreMesh(core_axis_name="c", subcore_axis_name="s")
    call = functools.partial(
        pl.kernel,
        mesh=mesh,
        compiler_params=pltpu.CompilerParams(needs_layout_passes=False),
        out_type=jax.ShapeDtypeStruct((BATCH,), jnp.float32),
        scratch_types=[
            pltpu.VMEM((BPW,), jnp.int32),
            pltpu.VMEM((BPW,), jnp.int32),
            pltpu.VMEM((BPW,), jnp.float32),
            pltpu.VMEM((BPW,), jnp.float32),
            pltpu.VMEM((L,), jnp.float32),
            pltpu.VMEM((BPW,), jnp.float32),
            pltpu.SemaphoreType.DMA,
            pltpu.SemaphoreType.DMA,
        ],
    )(_sc_body)
    return call(playlist_ids, song_ids, scores_p, scores_s, b_vec)


@jax.jit
def _run(playlist_ids, song_ids, ptabT, stabT, fc_w, fc_b):
    w1 = fc_w[:DIM]
    w2 = fc_w[DIM:]
    scores_p = _scores(ptabT, w1)
    scores_s = _scores(stabT, w2)
    b_vec = jnp.broadcast_to(fc_b.astype(jnp.float32), (L,))
    return _gather_sigmoid(playlist_ids, song_ids, scores_p, scores_s, b_vec)


def kernel(playlist_ids, song_ids, playlist_table, song_table, fc_w, fc_b):
    out = _run(playlist_ids, song_ids, playlist_table.T, song_table.T,
               fc_w, fc_b)
    return out.reshape(BATCH, 1)

# --- scband reference (transcript-rebuilt; emitter-appended) ---
"""Pipeline reference for scband-graph-sagelink-prediction-5875515261449 (READ-ONLY COPY).

The authoritative reference and input builder live on the scoring server;
editing this copy changes nothing except your own understanding.
"""

import jax, jax.numpy as jnp
import numpy as np

NUM_PLAYLISTS = 100000
NUM_SONGS = 1000000
PLAYLIST_DIM = 64
SONG_DIM = 64
BATCH = 16384


def setup_inputs(seed: int = 0) -> dict:
    key = jax.random.key(seed)
    k1, k2, k3, k4, k5, k6 = jax.random.split(key, 6)
    playlist_ids = jax.random.randint(k1, (BATCH,), 0, NUM_PLAYLISTS, dtype=jnp.int64 if jax.config.jax_enable_x64 else jnp.int32).astype(jnp.int32)
    song_ids = jax.random.randint(k2, (BATCH,), 0, NUM_SONGS, dtype=jnp.int64 if jax.config.jax_enable_x64 else jnp.int32).astype(jnp.int32)
    playlist_table = jax.random.normal(k3, (NUM_PLAYLISTS, PLAYLIST_DIM), dtype=jnp.float32)
    song_table = jax.random.normal(k4, (NUM_SONGS, SONG_DIM), dtype=jnp.float32)
    fc_w = jax.random.normal(k5, (PLAYLIST_DIM + SONG_DIM, 1), dtype=jnp.float32) * (1.0 / np.sqrt(PLAYLIST_DIM + SONG_DIM))
    fc_b = jax.random.normal(k6, (1,), dtype=jnp.float32) * 0.01
    return {
        "playlist_ids": playlist_ids,
        "song_ids": song_ids,
        "playlist_table": playlist_table,
        "song_table": song_table,
        "fc_w": fc_w,
        "fc_b": fc_b,
    }


def reference(playlist_ids, song_ids, playlist_table, song_table, fc_w, fc_b):
    # Embedding lookups (gather)
    playlist_embedded = jnp.take(playlist_table, playlist_ids, axis=0)
    song_embedded = jnp.take(song_table, song_ids, axis=0)
    concatenated = jnp.concatenate((playlist_embedded, song_embedded), axis=1)
    # Dropout is identity in inference mode
    logits = concatenated @ fc_w + fc_b
    prediction = jax.nn.sigmoid(logits)
    return prediction

if __name__ == "__main__":
    import jax
    _d = setup_inputs()
    print(jax.jit(kernel)(*tuple(_d.values())))

</pallas_src>

<mosaic_0001>
#map = affine_map<(d0, d1) -> (0)>
module attributes {stable_mosaic.version = 14 : i64} {
  func.func @_sc_body(%arg0: i32, %arg1: i32, %arg2: memref<16384xi32, #tpu.memory_space<hbm>>, %arg3: memref<16384xi32, #tpu.memory_space<hbm>>, %arg4: memref<100000xf32, #tpu.memory_space<hbm>>, %arg5: memref<1000000xf32, #tpu.memory_space<hbm>>, %arg6: memref<16xf32, #tpu.memory_space<hbm>>, %arg7: memref<16384xf32, #tpu.memory_space<hbm>>, %arg8: memref<512xi32, #tpu.memory_space<vmem>>, %arg9: memref<512xi32, #tpu.memory_space<vmem>>, %arg10: memref<512xf32, #tpu.memory_space<vmem>>, %arg11: memref<512xf32, #tpu.memory_space<vmem>>, %arg12: memref<16xf32, #tpu.memory_space<vmem>>, %arg13: memref<512xf32, #tpu.memory_space<vmem>>, %arg14: memref<!tpu.dma_semaphore, #tpu.memory_space<semaphore_mem>>, %arg15: memref<!tpu.dma_semaphore, #tpu.memory_space<semaphore_mem>>) attributes {dimension_semantics = [#tpu.dimension_semantics<core_parallel>, #tpu.dimension_semantics<subcore_parallel>], iteration_bounds = array<i64: 2, 16>, scalar_prefetch = 0 : i64, scratch_operands = 8 : i64, tpu.core_type = #tpu.core_type<sc_vector_subcore>, window_params = [{transform_indices = #map}, {transform_indices = #map}, {transform_indices = #map}, {transform_indices = #map}, {transform_indices = #map}, {transform_indices = #map}]} {
    %mul3A = arith.constant 2 : i32
    %mul3A_0 = arith.muli %arg1, %mul3A : i32
    %add3A = arith.addi %mul3A_0, %arg0 : i32
    %mul3A_1 = arith.constant 512 : i32
    %mul3A_2 = arith.muli %add3A, %mul3A_1 : i32
    "tpu.region"() ({
      %run_scoped3A = tpu.sem_alloc : memref<!tpu.dma_semaphore, #tpu.memory_space<semaphore_mem>>
      %dma_start3A_15 = tpu.memref_slice %arg2[%mul3A_2] : memref<16384xi32, #tpu.memory_space<hbm>> -> memref<512xi32, #tpu.memory_space<hbm>>
      %dma_start3A_16 = tpu.memref_slice %arg2[%mul3A_2] : memref<16384xi32, #tpu.memory_space<hbm>> -> memref<512xi32, #tpu.memory_space<hbm>>
      tpu.enqueue_dma source(%dma_start3A_16 : memref<512xi32, #tpu.memory_space<hbm>>) target(%arg8 : memref<512xi32, #tpu.memory_space<vmem>>) target_semaphore(%run_scoped3A : memref<!tpu.dma_semaphore, #tpu.memory_space<semaphore_mem>>)
      %dma_wait3A_17 = tpu.memref_slice %arg2[%mul3A_2] : memref<16384xi32, #tpu.memory_space<hbm>> -> memref<512xi32, #tpu.memory_space<hbm>>
      %dma_wait3A_18 = tpu.memref_slice %arg2[%mul3A_2] : memref<16384xi32, #tpu.memory_space<hbm>> -> memref<512xi32, #tpu.memory_space<hbm>>
      tpu.wait_dma2 semaphore(%run_scoped3A : memref<!tpu.dma_semaphore, #tpu.memory_space<semaphore_mem>>) src(%dma_wait3A_18 : memref<512xi32, #tpu.memory_space<hbm>>) dst(%arg8 : memref<512xi32, #tpu.memory_space<vmem>>)
      tpu.yield
    }) : () -> ()
    "tpu.region"() ({
      %run_scoped3A = tpu.sem_alloc : memref<!tpu.dma_semaphore, #tpu.memory_space<semaphore_mem>>
      %dma_start3A_15 = tpu.memref_slice %arg3[%mul3A_2] : memref<16384xi32, #tpu.memory_space<hbm>> -> memref<512xi32, #tpu.memory_space<hbm>>
      %dma_start3A_16 = tpu.memref_slice %arg3[%mul3A_2] : memref<16384xi32, #tpu.memory_space<hbm>> -> memref<512xi32, #tpu.memory_space<hbm>>
      tpu.enqueue_dma source(%dma_start3A_16 : memref<512xi32, #tpu.memory_space<hbm>>) target(%arg9 : memref<512xi32, #tpu.memory_space<vmem>>) target_semaphore(%run_scoped3A : memref<!tpu.dma_semaphore, #tpu.memory_space<semaphore_mem>>)
      %dma_wait3A_17 = tpu.memref_slice %arg3[%mul3A_2] : memref<16384xi32, #tpu.memory_space<hbm>> -> memref<512xi32, #tpu.memory_space<hbm>>
      %dma_wait3A_18 = tpu.memref_slice %arg3[%mul3A_2] : memref<16384xi32, #tpu.memory_space<hbm>> -> memref<512xi32, #tpu.memory_space<hbm>>
      tpu.wait_dma2 semaphore(%run_scoped3A : memref<!tpu.dma_semaphore, #tpu.memory_space<semaphore_mem>>) src(%dma_wait3A_18 : memref<512xi32, #tpu.memory_space<hbm>>) dst(%arg9 : memref<512xi32, #tpu.memory_space<vmem>>)
      tpu.yield
    }) : () -> ()
    "tpu.region"() ({
      %run_scoped3A = tpu.sem_alloc : memref<!tpu.dma_semaphore, #tpu.memory_space<semaphore_mem>>
      tpu.enqueue_dma source(%arg6 : memref<16xf32, #tpu.memory_space<hbm>>) target(%arg12 : memref<16xf32, #tpu.memory_space<vmem>>) target_semaphore(%run_scoped3A : memref<!tpu.dma_semaphore, #tpu.memory_space<semaphore_mem>>)
      tpu.wait_dma2 semaphore(%run_scoped3A : memref<!tpu.dma_semaphore, #tpu.memory_space<semaphore_mem>>) src(%arg6 : memref<16xf32, #tpu.memory_space<hbm>>) dst(%arg12 : memref<16xf32, #tpu.memory_space<vmem>>)
      tpu.yield
    }) : () -> ()
    %dma_start3A = arith.constant 0 : i32
    %dma_start3A_3 = tpu.memref_slice %arg4[%dma_start3A] : memref<100000xf32, #tpu.memory_space<hbm>> -> memref<100000xf32, #tpu.memory_space<hbm>>
    tpu.enqueue_indirect_dma source(%dma_start3A_3 : memref<100000xf32, #tpu.memory_space<hbm>>) target(%arg10 : memref<512xf32, #tpu.memory_space<vmem>>) offsets(%arg8 : memref<512xi32, #tpu.memory_space<vmem>>) semaphore(%arg14 : memref<!tpu.dma_semaphore, #tpu.memory_space<semaphore_mem>>)
    %dma_start3A_4 = arith.constant 0 : i32
    %dma_start3A_5 = tpu.memref_slice %arg5[%dma_start3A_4] : memref<1000000xf32, #tpu.memory_space<hbm>> -> memref<1000000xf32, #tpu.memory_space<hbm>>
    tpu.enqueue_indirect_dma source(%dma_start3A_5 : memref<1000000xf32, #tpu.memory_space<hbm>>) target(%arg11 : memref<512xf32, #tpu.memory_space<vmem>>) offsets(%arg9 : memref<512xi32, #tpu.memory_space<vmem>>) semaphore(%arg15 : memref<!tpu.dma_semaphore, #tpu.memory_space<semaphore_mem>>)
    %dma_wait3A = arith.constant 0 : i32
    %dma_wait3A_6 = tpu.memref_slice %arg4[%dma_wait3A] : memref<100000xf32, #tpu.memory_space<hbm>> -> memref<100000xf32, #tpu.memory_space<hbm>>
    tpu.wait_indirect_dma semaphore(%arg14 : memref<!tpu.dma_semaphore, #tpu.memory_space<semaphore_mem>>) src(%dma_wait3A_6 : memref<100000xf32, #tpu.memory_space<hbm>>) dst(%arg10 : memref<512xf32, #tpu.memory_space<vmem>>)
    %dma_wait3A_7 = arith.constant 0 : i32
    %dma_wait3A_8 = tpu.memref_slice %arg5[%dma_wait3A_7] : memref<1000000xf32, #tpu.memory_space<hbm>> -> memref<1000000xf32, #tpu.memory_space<hbm>>
    tpu.wait_indirect_dma semaphore(%arg15 : memref<!tpu.dma_semaphore, #tpu.memory_space<semaphore_mem>>) src(%dma_wait3A_8 : memref<1000000xf32, #tpu.memory_space<hbm>>) dst(%arg11 : memref<512xf32, #tpu.memory_space<vmem>>)
    %get3A = arith.constant 0 : index
    %get3A_9 = tpu.vector_load %arg12[%get3A] {strides = array<i32>} : memref<16xf32, #tpu.memory_space<vmem>>, vector<16xf32>,
    %scan3A = arith.constant 0 : i32
    %scan3A_10 = arith.constant 0 : i32
    %scan3A_11 = arith.constant 32 : i32
    %scan3A_12 = arith.addi %scan3A_10, %scan3A_11 : i32
    %scan3A_13 = arith.constant 1 : i32
    scf.for %scan3A_15 = %scan3A_10 to %scan3A_12 step %scan3A_13  : i32 {
      %mul3A_16 = arith.constant 16 : i32
      %mul3A_17 = arith.muli %scan3A_15, %mul3A_16 : i32
      %get3A_18 = arith.index_cast %mul3A_17 : i32 to index
      %get3A_19 = tpu.vector_load %arg10[%get3A_18] {strides = array<i32>} : memref<512xf32, #tpu.memory_space<vmem>>, vector<16xf32>,
      %get3A_20 = arith.index_cast %mul3A_17 : i32 to index
      %get3A_21 = tpu.vector_load %arg11[%get3A_20] {strides = array<i32>} : memref<512xf32, #tpu.memory_space<vmem>>, vector<16xf32>,
      %add3A_22 = arith.addf %get3A_19, %get3A_21 : vector<16xf32>
      %add3A_23 = arith.addf %add3A_22, %get3A_9 : vector<16xf32>
      %neg3A = arith.constant 0.000000e+00 : f32
      %neg3A_24 = vector.broadcast %neg3A : f32 to vector<16xf32>
      %neg3A_25 = arith.subf %neg3A_24, %add3A_23 : vector<16xf32>
      %exp3A = math.exp %neg3A_25 : vector<16xf32>
      %add3A_26 = arith.constant 1.000000e+00 : f32
      %add3A_27 = vector.broadcast %add3A_26 : f32 to vector<16xf32>
      %add3A_28 = arith.addf %add3A_27, %exp3A : vector<16xf32>
      %div3A = arith.constant 1.000000e+00 : f32
      %div3A_29 = vector.broadcast %div3A : f32 to vector<16xf32>
      %div3A_30 = arith.divf %div3A_29, %add3A_28 : vector<16xf32>
      %swap3A = arith.index_cast %mul3A_17 : i32 to index
      %swap3A_31 = tpu.vector_load %arg13[%swap3A] {strides = array<i32>} : memref<512xf32, #tpu.memory_space<vmem>>, vector<16xf32>,
      tpu.vector_store %arg13[%swap3A], %div3A_30 {strides = array<i32>} : memref<512xf32, #tpu.memory_space<vmem>>, vector<16xf32>,
    }
    %scan3A_14 = arith.constant 32 : i32
    "tpu.region"() ({
      %run_scoped3A = tpu.sem_alloc : memref<!tpu.dma_semaphore, #tpu.memory_space<semaphore_mem>>
      %dma_start3A_15 = tpu.memref_slice %arg7[%mul3A_2] : memref<16384xf32, #tpu.memory_space<hbm>> -> memref<512xf32, #tpu.memory_space<hbm>>
      %dma_start3A_16 = tpu.memref_slice %arg7[%mul3A_2] : memref<16384xf32, #tpu.memory_space<hbm>> -> memref<512xf32, #tpu.memory_space<hbm>>
      tpu.enqueue_dma source(%arg13 : memref<512xf32, #tpu.memory_space<vmem>>) target(%dma_start3A_16 : memref<512xf32, #tpu.memory_space<hbm>>) target_semaphore(%run_scoped3A : memref<!tpu.dma_semaphore, #tpu.memory_space<semaphore_mem>>)
      %dma_wait3A_17 = tpu.memref_slice %arg7[%mul3A_2] : memref<16384xf32, #tpu.memory_space<hbm>> -> memref<512xf32, #tpu.memory_space<hbm>>
      %dma_wait3A_18 = tpu.memref_slice %arg7[%mul3A_2] : memref<16384xf32, #tpu.memory_space<hbm>> -> memref<512xf32, #tpu.memory_space<hbm>>
      tpu.wait_dma2 semaphore(%run_scoped3A : memref<!tpu.dma_semaphore, #tpu.memory_space<semaphore_mem>>) src(%arg13 : memref<512xf32, #tpu.memory_space<vmem>>) dst(%dma_wait3A_18 : memref<512xf32, #tpu.memory_space<hbm>>)
      tpu.yield
    }) : () -> ()
    return
  }
}

module attributes {stable_mosaic.version = 14 : i64} {
  func.func @_matvec_body(%arg0: i32, %arg1: memref<64x1xf32, #tpu.memory_space<vmem>>, %arg2: memref<64x49152xf32, #tpu.memory_space<vmem>>, %arg3: memref<49152xf32, #tpu.memory_space<vmem>>) attributes {dimension_semantics = [#tpu.dimension_semantics<arbitrary>], iteration_bounds = array<i64: 3>, scalar_prefetch = 0 : i64, scratch_operands = 0 : i64, tpu.core_type = #tpu.core_type<tc>, window_params = [{pipeline_mode = #tpu.pipeline_mode<synchronous>, transform_indices = @transform_0, window_bounds = array<i64: 64, 1>}, {transform_indices = @transform_1, window_bounds = array<i64: 64, 49152>}, {transform_indices = @transform_2, window_bounds = array<i64: 49152>}]} {
    %get3A = arith.constant 0 : index
    %get3A_0 = arith.constant 0 : index
    %get3A_1 = vector.load %arg2[%get3A, %get3A_0] : memref<64x49152xf32, #tpu.memory_space<vmem>>, vector<64x49152xf32>
    %get3A_2 = arith.constant 0 : index
    %get3A_3 = arith.constant 0 : index
    %get3A_4 = vector.load %arg1[%get3A_2, %get3A_3] : memref<64x1xf32, #tpu.memory_space<vmem>>, vector<64x1xf32>
    %transpose3A = tpu.transpose %get3A_4, [1, 0] : vector<64x1xf32> -> vector<1x64xf32>
    %dot_general3A = arith.constant dense<0.000000e+00> : vector<1x49152xf32>
    %dot_general3A_5 = tpu.matmul %transpose3A, %get3A_1, %dot_general3A {dimension_numbers = #tpu.dot_dimension_numbers<[1], [0], [0], [1], [0, 0, 1, 1], [], []>, transpose_lhs_hint = false} : vector<1x64xf32>, vector<64x49152xf32>, vector<1x49152xf32> -> vector<1x49152xf32>
    %squeeze3A = vector.shape_cast %dot_general3A_5 : vector<1x49152xf32> to vector<49152xf32>
    %swap3A = arith.constant 0 : index
    %swap3A_6 = vector.load %arg3[%swap3A] : memref<49152xf32, #tpu.memory_space<vmem>>, vector<49152xf32>
    tpu.vector_store %arg3[%swap3A], %squeeze3A {strides = array<i32>} : memref<49152xf32, #tpu.memory_space<vmem>>, vector<49152xf32>,
    return
  }
  func.func @transform_0(%arg0: i32) -> (i32, i32) {
    %c0_i32 = arith.constant 0 : i32
    %c0_i32_0 = arith.constant 0 : i32
    %c0_i32_1 = arith.constant 0 : i32
    return %c0_i32, %c0_i32_0 : i32, i32
  }
  func.func @transform_1(%arg0: i32) -> (i32, i32) {
    %c0_i32 = arith.constant 0 : i32
    %c0_i32_0 = arith.constant 0 : i32
    return %c0_i32, %arg0 : i32, i32
  }
  func.func @transform_2(%arg0: i32) -> i32 {
    %c0_i32 = arith.constant 0 : i32
    return %arg0 : i32
  }
}

module attributes {stable_mosaic.version = 14 : i64} {
  func.func @_matvec_body(%arg0: i32, %arg1: memref<64x1xf32, #tpu.memory_space<vmem>>, %arg2: memref<64x49152xf32, #tpu.memory_space<vmem>>, %arg3: memref<49152xf32, #tpu.memory_space<vmem>>) attributes {dimension_semantics = [#tpu.dimension_semantics<arbitrary>], iteration_bounds = array<i64: 21>, scalar_prefetch = 0 : i64, scratch_operands = 0 : i64, tpu.core_type = #tpu.core_type<tc>, window_params = [{pipeline_mode = #tpu.pipeline_mode<synchronous>, transform_indices = @transform_0, window_bounds = array<i64: 64, 1>}, {transform_indices = @transform_1, window_bounds = array<i64: 64, 49152>}, {transform_indices = @transform_2, window_bounds = array<i64: 49152>}]} {
    %get3A = arith.constant 0 : index
    %get3A_0 = arith.constant 0 : index
    %get3A_1 = vector.load %arg2[%get3A, %get3A_0] : memref<64x49152xf32, #tpu.memory_space<vmem>>, vector<64x49152xf32>
    %get3A_2 = arith.constant 0 : index
    %get3A_3 = arith.constant 0 : index
    %get3A_4 = vector.load %arg1[%get3A_2, %get3A_3] : memref<64x1xf32, #tpu.memory_space<vmem>>, vector<64x1xf32>
    %transpose3A = tpu.transpose %get3A_4, [1, 0] : vector<64x1xf32> -> vector<1x64xf32>
    %dot_general3A = arith.constant dense<0.000000e+00> : vector<1x49152xf32>
    %dot_general3A_5 = tpu.matmul %transpose3A, %get3A_1, %dot_general3A {dimension_numbers = #tpu.dot_dimension_numbers<[1], [0], [0], [1], [0, 0, 1, 1], [], []>, transpose_lhs_hint = false} : vector<1x64xf32>, vector<64x49152xf32>, vector<1x49152xf32> -> vector<1x49152xf32>
    %squeeze3A = vector.shape_cast %dot_general3A_5 : vector<1x49152xf32> to vector<49152xf32>
    %swap3A = arith.constant 0 : index
    %swap3A_6 = vector.load %arg3[%swap3A] : memref<49152xf32, #tpu.memory_space<vmem>>, vector<49152xf32>
    tpu.vector_store %arg3[%swap3A], %squeeze3A {strides = array<i32>} : memref<49152xf32, #tpu.memory_space<vmem>>, vector<49152xf32>,
    return
  }
  func.func @transform_0(%arg0: i32) -> (i32, i32) {
    %c0_i32 = arith.constant 0 : i32
    %c0_i32_0 = arith.constant 0 : i32
    %c0_i32_1 = arith.constant 0 : i32
    return %c0_i32, %c0_i32_0 : i32, i32
  }
  func.func @transform_1(%arg0: i32) -> (i32, i32) {
    %c0_i32 = arith.constant 0 : i32
    %c0_i32_0 = arith.constant 0 : i32
    return %c0_i32, %arg0 : i32, i32
  }
  func.func @transform_2(%arg0: i32) -> i32 {
    %c0_i32 = arith.constant 0 : i32
    return %arg0 : i32
  }
}

</mosaic_0001>

<sc_bundles>
// kernel: _run.5.cloned.1.call-start
scs
__scs_entry_jumppad:
0x0: {  	(pc) =	sbr.rel $0x88, $3  }
0x1: {  	(tag) =	ssettag $0x0;
	lr =	simm.s32 $0x1  }
0x2: {  	[smem:$0x3F9B] =	sst lr;
	_ =	strace $0xD0000000  }
0x3: {  	_ = 	snop  }
0x4: {  	_ = 	snop  }
0x5: {  	_ = 	snop  }
0x6: {  	_ = 	snop  }
0x7: {  	_ = 	snop  }
__scs_overlays_trampoline_lowered:
0x8: {  	[smem:$0x3FAA] =	sst s0  }
0x9: {  	[smem:$0x3FAB] =	sst s1  }
0xa: {  	[smem:$0x3FAC] =	sst s2  }
0xb: {  	[smem:$0x3FAD] =	sst s3  }
0xc: {  	[smem:$0x3FAE] =	sst s4  }
0xd: {  	[smem:$0x3FAF] =	sst s5  }
0xe: {  	[smem:$0x3FB0] =	sst s6  }
0xf: {  	[smem:$0x3FB1] =	sst s7  }
0x10: {  	[smem:$0x3FB2] =	sst s8  }
0x11: {  	[smem:$0x3FB3] =	sst s9;
	s0 =	simm.s32 @!p0 $0x0  }
0x12: {  	s1 =	sld [smem:$0x3F99];
	s0 =	simm.s32 @p0 $0x1  }
0x13: {  	[smem:$0x3FB4] =	sst s0;
	s0 =	simm.s32 @!p1 $0x0  }
0x14: {  	s2 =	sld [smem:$0x3F98];
	s0 =	simm.s32 @p1 $0x1  }
0x15: {  	[smem:$0x3FB5] =	sst s0;
	s0 =	simm.s32 @!p2 $0x0  }
0x16: {  	s3 =	sld [smem:$0x3FDB];
	s0 =	simm.s32 @p2 $0x1  }
0x17: {  	s4 =	simm.s32 $0x1BF5;
	[smem:$0x3FB7] =	sst s0  }
0x18: {  	s0 =	sld [smem:$0x3F9A];
	_ =	swait.ge [sflag:s4], $0x0  }
0x19: {  	s7 =	sld [smem:$0x3F9B]  }
0x1a: {  	s8 =	sadd.s32 $0xFFFFE003, lr  }
0x1b: {  	s9 =	sadd.s32 $0xFFFFFEF7, lr;
	s5 =	simm.s32 $0xFFFFFFFF;
	p2 =	slt.u32 s8, $0xFFFFF086  }
0x1c: {  	p1 =	slt.u32 s9, $0xF7A;
	s5 =	simm.s32 @!p2 $0x0  }
0x1d: {  	s5 =	simm.s32 @p1 $0x1;
	p0 =	seq.s32 s7, s2  }
0x1e: {  	s7 =	smul.u32 @!p0 $0xF7A, s2;
	p2 =	seq.s32 @!p0 s5, $0x0  }
0x1f: {  	s9 =	smul.u32 $0xF7A, s1;
	s8 =	simm.s32 @!p0 $0x1BF5;
	p2 =	por !p2, p0  }
0x20: {  	[sflag:s8] =	ssyncset.s32 @!p0 $0xFFFFF086;
	s6 =	sadd.s32 @!p0 s3, s7;
	s7 =	simm.s32 @!p0 $0x108  }
0x21: {  	s3 =	sadd.s32 s3, s9;
	s6 =	sadd.s32 @!p0 $0x88, s6;
	s7 =	simm.s32 @p2 $0x1082  }
0x22: {  	[simem:s7], [sflag:s8] =	dma.local @!p0 [hbm:s6], $0xF7A  }
0x23: {  	s9 =	sor.u32 $0xD0000000, s2;
	s6 =	simm.s32 $0x108;
	_ =	swait.ge @!p0 [sflag:s8], $0x0  }
0x24: {  	s3 =	sadd.s32 $0x88, s3;
	s6 =	simm.s32 @!p1 $0x1082;
	[sflag:s4] =	ssyncset.s32 $0xFFFFF086  }
0x25: {  	[simem:s6], [sflag:s4] =	dma.local [hbm:s3], $0xF7A  }
0x26: {  	[smem:$0x3F9B] =	sst s1;
	(tag) =	ssettag s2;
	_ =	strace s9  }
0x27: {  	s1 =	sld [smem:$0x3FAB]  }
0x28: {  	s2 =	sld [smem:$0x3FAC]  }
0x29: {  	s4 =	sld [smem:$0x3FAE]  }
0x2a: {  	p0 =	seq.s32 s5, $0x0;
	s5 =	sld [smem:$0x3FAF]  }
0x2b: {  	s6 =	sld [smem:$0x3FB0]  }
0x2c: {  	s7 =	sld [smem:$0x3FB1]  }
0x2d: {  	s3 =	simm.s32 $0x108;
	s8 =	sld [smem:$0x3FB2]  }
0x2e: {  	s3 =	simm.s32 @!p0 $0x1082;
	s9 =	sld [smem:$0x3FB3]  }
0x2f: {  	lr =	sadd.s32 s0, s3;
	s0 =	sld [smem:$0x3FAA]  }
0x30: {  	s3 =	sld [smem:$0x3FAD]  }
0x31: {  	[smem:$0x3FB6] =	sst s10  }
0x32: {  	s10 =	sld [smem:$0x3FB4];
	_ =	sdelay $0x3  }
0x33: {  	p0 =	seq.s32 s10, $0x1;
	s10 =	sld [smem:$0x3FB6];
	_ =	sdelay $0x3  }
0x34: {  	[smem:$0x3FB6] =	sst s10  }
0x35: {  	s10 =	sld [smem:$0x3FB5];
	_ =	sdelay $0x3  }
0x36: {  	p1 =	seq.s32 s10, $0x1;
	s10 =	sld [smem:$0x3FB6];
	_ =	sdelay $0x3  }
0x37: {  	[smem:$0x3FB6] =	sst s10  }
0x38: {  	s10 =	sld [smem:$0x3FB7]  }
0x39: {  	_ = 	snop;
	(pc) =	sbr.ind lr, $3  }
0x3a: {  	_ = 	snop  }
0x3b: {  	_ = 	snop  }
0x3c: {  	p2 =	seq.s32 s10, $0x1;
	s10 =	sld [smem:$0x3FB6]  }
0x3d: {  	_ =	shalt  }
0x3e: {  	_ =	shalt  }
0x3f: {  	_ =	shalt  }
0x40: {  	_ =	shalt  }
0x41: {  	_ =	shalt  }
0x42: {  	_ =	shalt  }
0x43: {  	_ =	shalt  }
0x44: {  	_ =	shalt  }
0x45: {  	_ =	shalt  }
0x46: {  	_ =	shalt  }
0x47: {  	_ =	shalt  }
0x48: {  	_ =	shalt  }
0x49: {  	_ =	shalt  }
0x4a: {  	_ =	shalt  }
0x4b: {  	_ =	shalt  }
0x4c: {  	_ =	shalt  }
0x4d: {  	_ =	shalt  }
0x4e: {  	_ =	shalt  }
0x4f: {  	_ =	shalt  }
0x50: {  	_ =	shalt  }
0x51: {  	_ =	shalt  }
0x52: {  	_ =	shalt  }
0x53: {  	_ =	shalt  }
0x54: {  	_ =	shalt  }
0x55: {  	_ =	shalt  }
0x56: {  	_ =	shalt  }
0x57: {  	_ =	shalt  }
0x58: {  	_ =	shalt  }
0x59: {  	_ =	shalt  }
0x5a: {  	_ =	shalt  }
0x5b: {  	_ =	shalt  }
0x5c: {  	_ =	shalt  }
0x5d: {  	_ =	shalt  }
0x5e: {  	_ =	shalt  }
0x5f: {  	_ =	shalt  }
0x60: {  	_ =	shalt  }
0x61: {  	_ =	shalt  }
0x62: {  	_ =	shalt  }
0x63: {  	_ =	shalt  }
0x64: {  	_ =	shalt  }
0x65: {  	_ =	shalt  }
0x66: {  	_ =	shalt  }
0x67: {  	_ =	shalt  }
0x68: {  	_ =	shalt  }
0x69: {  	_ =	shalt  }
0x6a: {  	_ =	shalt  }
0x6b: {  	_ =	shalt  }
0x6c: {  	_ =	shalt  }
0x6d: {  	_ =	shalt  }
0x6e: {  	_ =	shalt  }
0x6f: {  	_ =	shalt  }
0x70: {  	_ =	shalt  }
0x71: {  	_ =	shalt  }
0x72: {  	_ =	shalt  }
0x73: {  	_ =	shalt  }
0x74: {  	_ =	shalt  }
0x75: {  	_ =	shalt  }
0x76: {  	_ =	shalt  }
0x77: {  	_ =	shalt  }
0x78: {  	_ =	shalt  }
0x79: {  	_ =	shalt  }
0x7a: {  	_ =	shalt  }
0x7b: {  	_ =	shalt  }
0x7c: {  	_ =	shalt  }
0x7d: {  	_ =	shalt  }
0x7e: {  	_ =	shalt  }
0x7f: {  	_ =	shalt  }
0x80: {  	_ =	shalt  }
0x81: {  	_ =	shalt  }
0x82: {  	_ =	shalt  }
0x83: {  	_ =	shalt  }
0x84: {  	_ =	shalt  }
0x85: {  	_ =	shalt  }
0x86: {  	_ =	shalt  }
0x87: {  	_ =	shalt  }
.Lfunc_end0:
.L_simem_size_0:
called_computation_lowered:
.L_overlay_start_0:
0x88: {  	s2 =	sld [smem:$0x3FD9]  }
0x89: {  	s3 =	sld [smem:$0x3FFE];
	_ =	sdelay $0x1  }
0x8a: {  	s1 =	srdreg.scid  }
0x8b: {  	s0 =	sand.u32 $0x1, s1  }
0x8c: {  	s17 =	sshll.u32 s0, $0xA;
	s2 =	sadd.s32 s3, s2  }
0x8d: {  	s2 =	sadd.s32 s2, s17  }
0x8e: {  	[smem:$0x3FC2] =	sst s2  }
0x8f: {  	_ = 	snop  }
0x90: {  	s2 =	sld [smem:$0x3FC9]  }
0x91: {  	s18 =	sld [smem:$0x3FC8]  }
0x92: {  	s4 =	sld [smem:$0x3FD0];
	(tm) =	ssettm $0x1  }
0x93: {  	s5 =	sld [smem:$0x3FFB];
	_ =	sdelay $0x3  }
0x94: {  	_ =	strace s5  }
0x95: {  	s5 =	sld [smem:$0x3FFC];
	_ =	sdelay $0x3  }
0x96: {  	_ =	strace s5  }
0x97: {  	s5 =	sld [smem:$0x3FFD];
	_ =	sdelay $0x3  }
0x98: {  	_ =	strace s5  }
0x99: {  	_ =	strace $0x8FFFFFFF  }
0x9a: {  	s19 =	sld [smem:$0x3FDB];
	_ =	sdelay $0x1  }
0x9b: {  	s6 =	simm.s32 $_scs_section_size  }
0x9c: {  	s7 =	simm.s32 $_size__tile_overlayer_lowered;
	s8 =	simm.s32 $_tile_overlayer_lowered  }
0x9d: {  	s22 =	simm.s32 $0x1BFF;
	s21 =	sshll.u32 s8, $0x1;
	s5 =	sadd.s32 s6, s19  }
0x9e: {  	s9 =	simm.s32 $0x0;
	s20 =	sshll.u32 s7, $0x1;
	s7 =	sadd.s32 s21, s5  }
0x9f: {  	[timem:s9], [sflag:s22] =	dma.local [hbm:s7], s20  }
0xa0: {  	_ =	swait.ge [sflag:s22], s20  }
0xa1: {  	s6 =	ssub.s32 $0x0, s20;
	[sflag:s22] =	ssyncset.done $0x0  }
0xa2: {  	[sflag:s22] =	ssyncadd.s32 s6;
	_ =	sdelay $0x1  }
0xa3: {  	s23 =	simm.s32 $0x1B8B  }
0xa4: {  	_ =	swait.ge [sflag:s23], $0x1  }
0xa5: {  	[sflag:s23] =	ssyncset.done $0x0  }
0xa6: {  	s25 =	simm.s32 $0x1B8E;
	s24 =	sld [smem:$0x3FFE];
	[sflag:s23] =	ssyncadd.s32 $0xFFFFFFFF  }
0xa7: {  	s26 =	simm.s32 $execute0_lowered;
	[smem:$0x3FD2] =	sst s25  }
0xa8: {  	s7 =	sshll.u32 s26, $0x1;
	_ =	strace $0x80000046;
	[dreg:$0x1] =	wrdreg $0xFFFFFFFF  }
0xa9: {  	s28 =	simm.s32 $_size_execute0_lowered;
	s5 =	sadd.s32 s5, s7;
	[dreg:$0x0] =	wrdreg $0x0  }
0xaa: {  	s7 =	sshll.u32 s28, $0x1;
	[dreg:$0x2] =	wrdreg s5  }
0xab: {  	[dreg:$0x3] =	wrdreg s7  }
0xac: {  	[dreg:$0x4] =	wrdreg $0xC0  }
0xad: {  	_ =	task [dreg:s9], $0x5FFFF  }
0xae: {  	[dreg:$0x1] =	wrdreg $0xFFFFFFFF  }
0xaf: {  	[dreg:$0x0] =	wrdreg $0x60  }
0xb0: {  	[dreg:$0x2] =	wrdreg s2  }
0xb1: {  	[dreg:$0x3] =	wrdreg s18  }
0xb2: {  	[dreg:$0x4] =	wrdreg s24  }
0xb3: {  	[dreg:$0x5] =	wrdreg s4  }
0xb4: {  	[dreg:$0x6] =	wrdreg $0x9  }
0xb5: {  	_ =	task.clear_ibuf [dreg:s9], $0x7FFFF;
	_ =	strace $0x90000046  }
0xb6: {  	s29 =	simm.s32 $0x9;
	_ =	strace $0x80000048  }
0xb7: {  	_ =	swait.ge [sflag:s29], $0x1  }
0xb8: {  	[sflag:s29] =	ssyncadd.s32 $0xFFFFFFFF  }
0xb9: {  	_ =	strace $0x90000048  }
0xba: {  	_ =	sfence  }
0xbb: {  	s30 =	sld [smem:$0x0];
	_ =	sdelay $0x2  }
0xbc: {  	s31 =	sshll.u32 s1, $0xD;
	s1 =	sshrl.u32 s1, $0x2  }
0xbd: {  	s3 =	sand.u32 $0x4000, s31;
	s1 =	sadd.s32 s1, s30  }
0xbe: {  	s0 =	sor.u32 s3, s0;
	s1 =	sshll.u32 s1, $0x11  }
0xbf: {  	s0 =	sor.u32 s1, s0  }
0xc0: {  	s0 =	sadd.s32 $0x8F2B, s0  }
0xc1: {  	[sflag:s0] =	ssyncadd.remote.s32 $0x1  }
0xc2: {  	_ =	sfence.sel $0xFFFF  }
0xc3: {  	[dreg:$0x0] =	wrdreg $0xFFFFFFFF;
	(pc) =	sbr.abs _section_cstart, $3  }
0xc4: {  	[dreg:$0x1] =	wrdreg $0xFFFFFFFF  }
0xc5: {  	_ =	task.clear_ibuf [dreg:s9], $0x2FFFF;
	_ =	strace $0x9FFFFFFF  }
0xc6: {  	(tm) =	ssettm $0x7FFFFFFF  }
0xc7: {  	_ =	shalt  }
tec
execute0_lowered:
.L_overlay_start_1:
0x0: {  	(tag) =	ssettag $0x1  }
0x1: {  	s6 =	rddreg [dreg:$0x0]  }
0x2: {  	s7 =	rddreg [dreg:$0x1]  }
0x3: {  	s5 =	rddreg [dreg:$0x2]  }
0x4: {  	s8 =	rddreg [dreg:$0x3]  }
0x5: {  	s0 =	rddreg [dreg:$0x4];
	s1 =	simm.s32 $0x0  }
0x6: {  	s4 =	srdreg.scid;
	s2 =	stileid.u32;
	s13 =	simm.s32 $0x400  }
0x7: {  	s14 =	simm.s32 $0x600;
	s15 =	simm.s32 $0x1;
	s16 =	simm.s32 $0x2  }
0x8: {  	s17 =	simm.s32 $0x880;
	s18 =	simm.s32 $0x0;
	[smem:$0x7FF] =	sst s1  }
0x9: {  	s3 =	sadd.s32 $0xA00, s5;
	s4 =	sand.u32 $0x1, s4;
	s10 =	sshll.u32 s2, $0x7  }
0xa: {  	_ =	strace $0x80000047;
	s9 =	ssub.s32 $0x2, s4;
	s11 =	sshll.u32 s4, $0x6  }
0xb: {  	s4 =	sadd.s32 $0x3C00, s5;
	s5 =	sadd.s32 $0x22600, s5;
	s12 =	sshrl.u32 s9, $0x1  }
0xc: {  	s10 =	sor.u32 s11, s10;
	s11 =	simm.s32 $0x200;
	s9 =	ssub.s32 s9, s12  }
0xd: {  	s6 =	sadd.s32 s6, s10;
	s7 =	sadd.s32 s7, s10;
	s8 =	sadd.s32 s8, s10  }
0xe: {  	s10 =	simm.s32 $0x3;
	s12 =	simm.s32 $0x800;
	s9 =	smax.u32 s9, $0x1  }
.LBB2_1:
0xf: {  	[tilespmem:s1], [sflag:$0x3] =	stream.linear.gather [hbm4b:s6+s1], $0x200, $0x38;
	[tilespmem:$0xA80] =	vst v63  }
0x10: {  	_ =	swait.ge [sflag:s10], $0x200  }
0x11: {  	[sflag:s10] =	ssyncset.done $0x0  }
0x12: {  	[sflag:s10] =	ssyncadd.s32 $0xFFFFFE00  }
0x13: {  	[tilespmem:s11], [sflag:$0x3] =	stream.linear.gather [hbm4b:s7+s1], $0x200, $0x38;
	[tilespmem:$0xA80] =	vst v63  }
0x14: {  	_ =	swait.ge [sflag:s10], $0x200  }
0x15: {  	[sflag:s10] =	ssyncset.done $0x0  }
0x16: {  	[sflag:s10] =	ssyncadd.s32 $0xFFFFFE00  }
0x17: {  	[tilespmem:s12], [sflag:$0x3] =	stream.linear.gather [hbm4b:s5+s1], $0x80, $0x38;
	[tilespmem:$0xA80] =	vst v63  }
0x18: {  	_ =	swait.ge [sflag:s10], $0x80  }
0x19: {  	[sflag:s10] =	ssyncset.done $0x0  }
0x1a: {  	[sflag:s10] =	ssyncadd.s32 $0xFFFFFF80  }
0x1b: {  	[tilespmem:s13], [sflag:$0x1] =	stream.indirect.gather [hbm4b:s3+s11], $0x1, s1, s11, $0xb8;
	[tilespmem:$0xA80] =	vst v63  }
0x1c: {  	_ = 	snop  }
0x1d: {  	[tilespmem:s14], [sflag:$0x2] =	stream.indirect.gather [hbm4b:s4+s11], $0x1, s11, s11, $0xb8;
	[tilespmem:$0xA80] =	vst v63  }
0x1e: {  	_ =	swait.ge [sflag:s15], $0x200  }
0x1f: {  	[sflag:s15] =	ssyncset.done $0x0  }
0x20: {  	[sflag:s15] =	ssyncadd.s32 $0xFFFFFE00  }
0x21: {  	_ =	swait.ge [sflag:s16], $0x200  }
0x22: {  	[sflag:s16] =	ssyncset.done $0x0  }
0x23: {  	s19 =	simm.s32 $0x0;
	[sflag:s16] =	ssyncadd.s32 $0xFFFFFE00  }
0x24: {  	v1 =	vld [tilespmem:s19+$0x400]  }
0x25: {  	v2 =	vld [tilespmem:s19+$0x600]  }
0x26: {  	s20 =	simm.s32 $0x10;
	v0 =	vld [tilespmem:$0x800]  }
0x27: {  	v3 =	vld [tilespmem:s20+$0x400]  }
0x28: {  	v4 =	vld [tilespmem:s20+$0x600];
	_ =	sdelay $0x1  }
0x29: {  	v1 =	vadd.f32 v2, v1;
	_ =	sdelay $0x1  }
0x2a: {  	v1 =	vadd.f32 v1, v0  }
0x2b: {  	v2 =	vadd.f32 v4, v3  }
0x2c: {  	s21 =	simm.s32 $0x20;
	v1 =	vsub.f32 $0.0e+00, v1  }
0x2d: {  	v3 =	vld [tilespmem:s21+$0x400];
	v2 =	vadd.f32 v2, v0  }
0x2e: {  	v4 =	vld [tilespmem:s21+$0x600];
	v1 =	vmul.f32 $1.442695020e+00, v1  }
0x2f: {  	v2 =	vsub.f32 $0.0e+00, v2  }
0x30: {  	s22 =	simm.s32 $0x30;
	(erf) = vpow2.f32 v1  }
0x31: {  	v5 =	vld [tilespmem:s22+$0x400];
	v1 =	vmul.f32 $1.442695020e+00, v2  }
0x32: {  	v2 =	vld [tilespmem:s22+$0x600]  }
0x33: {  	(erf) = vpow2.f32 v1;
	v1 =	vadd.f32 v4, v3;
	_ =	sdelay $0x1  }
0x34: {  	v1 =	vadd.f32 v1, v0;
	_ =	sdelay $0x1  }
0x35: {  	s23 =	simm.s32 $0x40;
	v2 =	vadd.f32 v2, v5;
	v1 =	vsub.f32 $0.0e+00, v1  }
0x36: {  	v3 =	vld [tilespmem:s23+$0x400]  }
0x37: {  	v4 =	vld [tilespmem:s23+$0x600];
	v2 =	vadd.f32 v2, v0;
	v1 =	vmul.f32 $1.442695020e+00, v1;
	v5 =	vpop (erf)  }
0x38: {  	v5 =	vadd.f32 $1.000000000e+00, v5  }
0x39: {  	v2 =	vsub.f32 $0.0e+00, v2;
	(erf) = vpow2.f32 v1  }
0x3a: {  	(erf) = vrcp.f32 v5  }
0x3b: {  	v2 =	vmul.f32 $1.442695020e+00, v2;
	v1 =	vpop (erf)  }
0x3c: {  	s24 =	simm.s32 $0x50;
	v3 =	vadd.f32 v4, v3;
	v4 =	vadd.f32 $1.000000000e+00, v1  }
0x3d: {  	v1 =	vld [tilespmem:s24+$0x400];
	(erf) = vpow2.f32 v2  }
0x3e: {  	v2 =	vld [tilespmem:s24+$0x600];
	(erf) = vrcp.f32 v4  }
0x3f: {  	v3 =	vadd.f32 v3, v0;
	_ =	sdelay $0x1  }
0x40: {  	s25 =	simm.s32 $0x180;
	v3 =	vsub.f32 $0.0e+00, v3  }
.LBB2_2:
0x41: {  	s26 =	sshra.s32 s25, $0x2;
	v4 =	vpop (erf);
	p0 =	sne.s32 s25, $0x7C0  }
.Ltmp0:
0x42: {  	v5 =	vadd.f32 v2, v1;
	v1 =	vld [tilespmem:s26+$0x400];
	v3 =	vmul.f32 $1.442695020e+00, v3;
	v6 =	vpop (erf);
	(pc) =	sbr.rel @p0 .LBB2_2-.Ltmp0, $4  }
0x43: {  	s25 =	sadd.s32 $0x40, s25;
	v4 =	vadd.f32 $1.000000000e+00, v4;
	v2 =	vld [tilespmem:s26+$0x600];
	[tilespmem:s19+$0x880] =	vst v6;
	s19 =	smov.u32 s20  }
0x44: {  	s20 =	smov.u32 s21;
	s21 =	smov.u32 s22;
	s22 =	smov.u32 s23;
	v5 =	vadd.f32 v5, v0;
	(erf) = vpow2.f32 v3  }
0x45: {  	s23 =	smov.u32 s24;
	s24 =	smov.u32 s26;
	(erf) = vrcp.f32 v4  }
0x46: {  	v3 =	vsub.f32 $0.0e+00, v5  }
0x47: {  	_ = 	snop  }
0x48: {  	v1 =	vadd.f32 v2, v1;
	_ =	sdelay $0x1  }
0x49: {  	v0 =	vadd.f32 v1, v0;
	_ =	sdelay $0x1  }
0x4a: {  	v54 =	vpop (erf);
	v55 =	vmul.f32 $1.442695020e+00, v3;
	v0 =	vsub.f32 $0.0e+00, v0  }
0x4b: {  	v1 =	vadd.f32 $1.000000000e+00, v54  }
0x4c: {  	(erf) = vpow2.f32 v55;
	v0 =	vmul.f32 $1.442695020e+00, v0  }
0x4d: {  	(erf) = vrcp.f32 v1  }
0x4e: {  	(erf) = vpow2.f32 v0;
	_ =	sdelay $0x3  }
0x4f: {  	v56 =	vpop (erf)  }
0x50: {  	v57 =	vpop (erf)  }
0x51: {  	v58 =	vpop (erf)  }
0x52: {  	v59 =	vpop (erf)  }
0x53: {  	v1 =	vadd.f32 $1.000000000e+00, v57;
	v4 =	vpop (erf)  }
0x54: {  	v3 =	vadd.f32 $1.000000000e+00, v59;
	v5 =	vpop (erf)  }
0x55: {  	(erf) = vrcp.f32 v1;
	v60 =	vadd.f32 $1.000000000e+00, v5  }
0x56: {  	(erf) = vrcp.f32 v3  }
0x57: {  	(erf) = vrcp.f32 v60;
	_ =	sdelay $0x4  }
0x58: {  	[tilespmem:s19+$0x880] =	vst v56  }
0x59: {  	[tilespmem:s20+$0x880] =	vst v58  }
0x5a: {  	[tilespmem:s21+$0x880] =	vst v4;
	v61 =	vpop (erf)  }
0x5b: {  	s18 =	sadd.s32 $0x1, s18;
	[tilespmem:s22+$0x880] =	vst v61;
	v62 =	vpop (erf)  }
0x5c: {  	p0 =	sne.s32 s18, s9;
	[tilespmem:s23+$0x880] =	vst v62;
	v63 =	vpop (erf)  }
.Ltmp1:
0x5d: {  	[tilespmem:s24+$0x880] =	vst v63;
	(pc) =	sbr.rel @p0 .LBB2_1-.Ltmp1, $4  }
0x5e: {  	[hbm4b:s8+s1] =	stream.linear.scatter [tilespmem:s17], [sflag:$0x3], $0x200, $0x38;
	[tilespmem:$0xA80] =	vst v63  }
0x5f: {  	_ =	swait.ge [sflag:s10], $0x200  }
0x60: {  	[sflag:s10] =	ssyncset.done $0x0  }
0x61: {  	[sflag:s10] =	ssyncadd.s32 $0xFFFFFE00  }
0x62: {  	_ =	sfence.sel $0x180000  }
0x63: {  	[bflag:$0x0] =	sbarrier.arrive $0xFFFF  }
0x64: {  	p0 =	sne.s32 s2, $0x0;
	_ =	strace $0x90000047  }
0x65: {  	s0 =	sadd.s32 @!p0 $0x100000, s0;
	[bflag:$0x2] =	sbarrier.arrive $0xFFFF  }
0x66: {  	[sflag:s0] =	ssyncadd.tile.s32 @!p0 $0x1;
	_ =	shalt  }
.Lfunc_end2:
_tile_overlayer_lowered:
.L_overlay_start_2:
0x67: {  	(tag) =	ssettag $0x2  }
0x68: {  	s0 =	rddreg [dreg:$0x0];
	s2 =	stileid.u32  }
0x69: {  	s1 =	rddreg [dreg:$0x1];
	p0 =	sne.s32 s2, $0x0  }
0x6a: {  	s3 =	rddreg [dreg:$0x2];
	[bflag:$0x3] =	sbarrier.arrive $0xFFFF;
	s2 =	simm.s32 @!p0 $0x1C03  }
0x6b: {  	[timem:s3], [sflag:s2] =	dma.local @!p0 [hbm:s0], s1  }
0x6c: {  	s0 =	simm.s32 @!p0 $0x3  }
0x6d: {  	_ =	swait.ge @!p0 [sflag:s0], s1  }
0x6e: {  	s1 =	ssub.s32 @!p0 $0x0, s1;
	[sflag:s0] =	ssyncset.done @!p0 $0x0  }
0x6f: {  	[sflag:s0] =	ssyncadd.s32 @!p0 s1  }
0x70: {  	[bflag:$0x3] =	sbarrier.arrive $0xFFFF  }
0x71: {  	_ =	shalt  }

</sc_bundles>
